<compile_context>
chip_gen: v7x
topology: tpu7x:2x2x1
jax: 0.10.2.dev20260603
libtpu: 0.0.44.dev20260713+nightly
codegen_flags: <defaults>
</compile_context>

<pallas_src>
import functools

import jax
import jax.numpy as jnp
from jax import lax
from jax.experimental import pallas as pl
from jax.experimental.pallas import tpu as pltpu
from jax.experimental.pallas import tpu_sc as plsc

_BATCH = 16384
_D = 64
_V = 100000
_NC = 2
_NS = 16
_NW = _NC * _NS
_DPW = _D // _NW
_L = 16
_FCH = 4096


def _tile_body(feat_hbm, lab_hbm, cent_hbm, out_hbm,
               lab_v, row_v, fbuf, part_v, rsem, fsem):
    wid = lax.axis_index("s") * _NC + lax.axis_index("c")

    pltpu.make_async_copy(cent_hbm.at[wid], row_v, rsem).start()
    pltpu.sync_copy(lab_hbm, lab_v)

    zero = jnp.zeros((_L,), jnp.float32)
    accs = (zero,) * 8

    def dim_body(di, accs):
        d = wid + di * _NW

        @pl.when(di > 0)
        def _():
            pltpu.make_async_copy(cent_hbm.at[d], row_v, rsem).start()

        for q in range(2):
            pltpu.make_async_copy(
                feat_hbm.at[d, pl.ds(q * _FCH, _FCH)],
                fbuf.at[pl.ds(q * _FCH, _FCH)], fsem).start()
        pltpu.make_async_copy(cent_hbm.at[d], row_v, rsem).wait()

        def quarter(q, accs):
            slot = (q % 2) * _FCH
            pltpu.make_async_copy(
                feat_hbm.at[d, pl.ds(q * _FCH, _FCH)],
                fbuf.at[pl.ds(slot, _FCH)], fsem).wait()

            def grp(j, accs):
                lb0 = q * _FCH + j * 8 * _L
                fb0 = slot + j * 8 * _L
                out = []
                for u in range(8):
                    idx = lab_v[pl.ds(lb0 + u * _L, _L)]
                    g = plsc.load_gather(row_v, [idx])
                    dd = fbuf[pl.ds(fb0 + u * _L, _L)] - g
                    out.append(accs[u] + dd * dd)
                return tuple(out)

            accs = lax.fori_loop(0, _FCH // (8 * _L), grp, accs)

            @pl.when(q + 2 < 4)
            def _():
                pltpu.make_async_copy(
                    feat_hbm.at[d, pl.ds((q + 2) * _FCH, _FCH)],
                    fbuf.at[pl.ds(slot, _FCH)], fsem).start()

            return accs

        return lax.fori_loop(0, 4, quarter, accs)

    accs = lax.fori_loop(0, _DPW, dim_body, accs)

    part_v[...] = ((accs[0] + accs[1]) + (accs[2] + accs[3])) + (
        (accs[4] + accs[5]) + (accs[6] + accs[7]))
    pltpu.sync_copy(part_v, out_hbm.at[pl.ds(wid * _L, _L)])


_mesh = plsc.VectorSubcoreMesh(core_axis_name="c", subcore_axis_name="s")

_sc_call = functools.partial(
    pl.kernel,
    mesh=_mesh,
    compiler_params=pltpu.CompilerParams(needs_layout_passes=False),
    out_type=jax.ShapeDtypeStruct((_NW * _L,), jnp.float32),
    scratch_types=[
        pltpu.VMEM((_BATCH,), jnp.int32),
        pltpu.VMEM((_V,), jnp.float32),
        pltpu.VMEM((2 * _FCH,), jnp.float32),
        pltpu.VMEM((_L,), jnp.float32),
        pltpu.SemaphoreType.DMA,
        pltpu.SemaphoreType.DMA,
    ],
)(_tile_body)


def kernel(features, labels, centers):
    lab = labels.astype(jnp.int32)
    partials = _sc_call(features.T, lab, centers.T)
    return jnp.sum(partials) * 0.5

# --- scband reference (transcript-rebuilt; emitter-appended) ---
"""Pipeline reference for scband-center-loss2-8040178778750 (READ-ONLY COPY).

The authoritative reference and input builder live on the scoring server;
editing this copy changes nothing except your own understanding.
"""

import jax, jax.numpy as jnp
import numpy as np

NUM_CLASSES = 100000
FEATURE_DIM = 64
BATCH = 16384


def setup_inputs(seed: int = 0) -> dict:
    key = jax.random.key(seed)
    k1, k2, k3 = jax.random.split(key, 3)
    features = jax.random.normal(k1, (BATCH, FEATURE_DIM), dtype=jnp.float32)
    labels = jax.random.randint(k2, (BATCH,), 0, NUM_CLASSES, dtype=jnp.int64)
    centers = jax.random.normal(k3, (NUM_CLASSES, FEATURE_DIM), dtype=jnp.float32)
    return {"features": features, "labels": labels, "centers": centers}


def reference(features, labels, centers):
    # CenterLoss2.forward: batch_size_tensor is filled with 1 (not the true
    # batch size), so the divisor is 1.
    batch_size = 1.0
    features = features.reshape(features.shape[0], -1)
    centers_batch = jnp.take(centers, labels, axis=0)
    dist = jnp.sum((features - centers_batch) ** 2) / 2.0 / batch_size
    return dist

if __name__ == "__main__":
    import jax
    _d = setup_inputs()
    print(jax.jit(kernel)(*tuple(_d.values())))

</pallas_src>

<mosaic_0001>
#map = affine_map<(d0, d1) -> (0, 0)>
#map1 = affine_map<(d0, d1) -> (0)>
module attributes {stable_mosaic.version = 14 : i64} {
  func.func @_tile_body(%arg0: i32, %arg1: i32, %arg2: memref<64x16384xf32, #tpu.memory_space<hbm>>, %arg3: memref<16384xi32, #tpu.memory_space<hbm>>, %arg4: memref<64x100000xf32, #tpu.memory_space<hbm>>, %arg5: memref<512xf32, #tpu.memory_space<hbm>>, %arg6: memref<16384xi32, #tpu.memory_space<vmem>>, %arg7: memref<100000xf32, #tpu.memory_space<vmem>>, %arg8: memref<8192xf32, #tpu.memory_space<vmem>>, %arg9: memref<16xf32, #tpu.memory_space<vmem>>, %arg10: memref<!tpu.dma_semaphore, #tpu.memory_space<semaphore_mem>>, %arg11: memref<!tpu.dma_semaphore, #tpu.memory_space<semaphore_mem>>) attributes {dimension_semantics = [#tpu.dimension_semantics<core_parallel>, #tpu.dimension_semantics<subcore_parallel>], iteration_bounds = array<i64: 2, 16>, scalar_prefetch = 0 : i64, scratch_operands = 6 : i64, tpu.core_type = #tpu.core_type<sc_vector_subcore>, window_params = [{transform_indices = #map}, {transform_indices = #map1}, {transform_indices = #map}, {transform_indices = #map1}]} {
    %mul3A = arith.constant 2 : i32
    %mul3A_0 = arith.muli %arg1, %mul3A : i32
    %add3A = arith.addi %mul3A_0, %arg0 : i32
    %dma_start3A = arith.constant 0 : i32
    %dma_start3A_1 = tpu.memref_slice %arg4[%add3A, %dma_start3A] : memref<64x100000xf32, #tpu.memory_space<hbm>> -> memref<1x100000xf32, #tpu.memory_space<hbm>>
    %dma_start3A_2 = tpu.memref_squeeze %dma_start3A_1 : memref<1x100000xf32, #tpu.memory_space<hbm>> -> memref<100000xf32, #tpu.memory_space<hbm>>
    %dma_start3A_3 = arith.constant 0 : i32
    %dma_start3A_4 = tpu.memref_slice %arg4[%add3A, %dma_start3A_3] : memref<64x100000xf32, #tpu.memory_space<hbm>> -> memref<1x100000xf32, #tpu.memory_space<hbm>>
    %dma_start3A_5 = tpu.memref_squeeze %dma_start3A_4 : memref<1x100000xf32, #tpu.memory_space<hbm>> -> memref<100000xf32, #tpu.memory_space<hbm>>
    tpu.enqueue_dma source(%dma_start3A_5 : memref<100000xf32, #tpu.memory_space<hbm>>) target(%arg7 : memref<100000xf32, #tpu.memory_space<vmem>>) target_semaphore(%arg10 : memref<!tpu.dma_semaphore, #tpu.memory_space<semaphore_mem>>)
    "tpu.region"() ({
      %run_scoped3A = tpu.sem_alloc : memref<!tpu.dma_semaphore, #tpu.memory_space<semaphore_mem>>
      tpu.enqueue_dma source(%arg3 : memref<16384xi32, #tpu.memory_space<hbm>>) target(%arg6 : memref<16384xi32, #tpu.memory_space<vmem>>) target_semaphore(%run_scoped3A : memref<!tpu.dma_semaphore, #tpu.memory_space<semaphore_mem>>)
      tpu.wait_dma2 semaphore(%run_scoped3A : memref<!tpu.dma_semaphore, #tpu.memory_space<semaphore_mem>>) src(%arg3 : memref<16384xi32, #tpu.memory_space<hbm>>) dst(%arg6 : memref<16384xi32, #tpu.memory_space<vmem>>)
      tpu.yield
    }) : () -> ()
    %broadcast_in_dim3A = arith.constant 0.000000e+00 : f32
    %broadcast_in_dim3A_6 = vector.broadcast %broadcast_in_dim3A : f32 to vector<16xf32>
    %scan3A = arith.constant 0 : i32
    %scan3A_7 = arith.constant 2 : i32
    %scan3A_8 = arith.addi %scan3A, %scan3A_7 : i32
    %scan3A_9 = arith.constant 1 : i32
    %scan3A_10:8 = scf.for %scan3A_22 = %scan3A to %scan3A_8 step %scan3A_9 iter_args(%scan3A_23 = %broadcast_in_dim3A_6, %scan3A_24 = %broadcast_in_dim3A_6, %scan3A_25 = %broadcast_in_dim3A_6, %scan3A_26 = %broadcast_in_dim3A_6, %scan3A_27 = %broadcast_in_dim3A_6, %scan3A_28 = %broadcast_in_dim3A_6, %scan3A_29 = %broadcast_in_dim3A_6, %scan3A_30 = %broadcast_in_dim3A_6) -> (vector<16xf32>, vector<16xf32>, vector<16xf32>, vector<16xf32>, vector<16xf32>, vector<16xf32>, vector<16xf32>, vector<16xf32>)  : i32 {
      %mul3A_31 = arith.constant 32 : i32
      %mul3A_32 = arith.muli %scan3A_22, %mul3A_31 : i32
      %add3A_33 = arith.addi %add3A, %mul3A_32 : i32
      %gt3A = arith.constant 0 : i32
      %gt3A_34 = arith.cmpi sgt, %scan3A_22, %gt3A : i32
      %convert_element_type3A = arith.extui %gt3A_34 : i1 to i32
      %cond3A = arith.constant 0 : i32
      %cond3A_35 = arith.cmpi ne, %convert_element_type3A, %cond3A : i32
      scf.if %cond3A_35 {
        %dma_start3A_67 = arith.constant 0 : i32
        %dma_start3A_68 = tpu.memref_slice %arg4[%add3A_33, %dma_start3A_67] : memref<64x100000xf32, #tpu.memory_space<hbm>> -> memref<1x100000xf32, #tpu.memory_space<hbm>>
        %dma_start3A_69 = tpu.memref_squeeze %dma_start3A_68 : memref<1x100000xf32, #tpu.memory_space<hbm>> -> memref<100000xf32, #tpu.memory_space<hbm>>
        %dma_start3A_70 = arith.constant 0 : i32
        %dma_start3A_71 = tpu.memref_slice %arg4[%add3A_33, %dma_start3A_70] : memref<64x100000xf32, #tpu.memory_space<hbm>> -> memref<1x100000xf32, #tpu.memory_space<hbm>>
        %dma_start3A_72 = tpu.memref_squeeze %dma_start3A_71 : memref<1x100000xf32, #tpu.memory_space<hbm>> -> memref<100000xf32, #tpu.memory_space<hbm>>
        tpu.enqueue_dma source(%dma_start3A_72 : memref<100000xf32, #tpu.memory_space<hbm>>) target(%arg7 : memref<100000xf32, #tpu.memory_space<vmem>>) target_semaphore(%arg10 : memref<!tpu.dma_semaphore, #tpu.memory_space<semaphore_mem>>)
      } else {
      }
      %dma_start3A_36 = arith.constant 0 : i32
      %dma_start3A_37 = tpu.memref_slice %arg8[%dma_start3A_36] : memref<8192xf32, #tpu.memory_space<vmem>> -> memref<4096xf32, #tpu.memory_space<vmem>>
      %dma_start3A_38 = arith.constant 0 : i32
      %dma_start3A_39 = tpu.memref_slice %arg2[%add3A_33, %dma_start3A_38] : memref<64x16384xf32, #tpu.memory_space<hbm>> -> memref<1x4096xf32, #tpu.memory_space<hbm>>
      %dma_start3A_40 = tpu.memref_squeeze %dma_start3A_39 : memref<1x4096xf32, #tpu.memory_space<hbm>> -> memref<4096xf32, #tpu.memory_space<hbm>>
      %dma_start3A_41 = arith.constant 0 : i32
      %dma_start3A_42 = tpu.memref_slice %arg8[%dma_start3A_41] : memref<8192xf32, #tpu.memory_space<vmem>> -> memref<4096xf32, #tpu.memory_space<vmem>>
      %dma_start3A_43 = arith.constant 0 : i32
      %dma_start3A_44 = tpu.memref_slice %arg2[%add3A_33, %dma_start3A_43] : memref<64x16384xf32, #tpu.memory_space<hbm>> -> memref<1x4096xf32, #tpu.memory_space<hbm>>
      %dma_start3A_45 = tpu.memref_squeeze %dma_start3A_44 : memref<1x4096xf32, #tpu.memory_space<hbm>> -> memref<4096xf32, #tpu.memory_space<hbm>>
      tpu.enqueue_dma source(%dma_start3A_45 : memref<4096xf32, #tpu.memory_space<hbm>>) target(%dma_start3A_42 : memref<4096xf32, #tpu.memory_space<vmem>>) target_semaphore(%arg11 : memref<!tpu.dma_semaphore, #tpu.memory_space<semaphore_mem>>)
      %dma_start3A_46 = arith.constant 4096 : i32
      %dma_start3A_47 = tpu.memref_slice %arg8[%dma_start3A_46] : memref<8192xf32, #tpu.memory_space<vmem>> -> memref<4096xf32, #tpu.memory_space<vmem>>
      %dma_start3A_48 = arith.constant 4096 : i32
      %dma_start3A_49 = tpu.memref_slice %arg2[%add3A_33, %dma_start3A_48] : memref<64x16384xf32, #tpu.memory_space<hbm>> -> memref<1x4096xf32, #tpu.memory_space<hbm>>
      %dma_start3A_50 = tpu.memref_squeeze %dma_start3A_49 : memref<1x4096xf32, #tpu.memory_space<hbm>> -> memref<4096xf32, #tpu.memory_space<hbm>>
      %dma_start3A_51 = arith.constant 4096 : i32
      %dma_start3A_52 = tpu.memref_slice %arg8[%dma_start3A_51] : memref<8192xf32, #tpu.memory_space<vmem>> -> memref<4096xf32, #tpu.memory_space<vmem>>
      %dma_start3A_53 = arith.constant 4096 : i32
      %dma_start3A_54 = tpu.memref_slice %arg2[%add3A_33, %dma_start3A_53] : memref<64x16384xf32, #tpu.memory_space<hbm>> -> memref<1x4096xf32, #tpu.memory_space<hbm>>
      %dma_start3A_55 = tpu.memref_squeeze %dma_start3A_54 : memref<1x4096xf32, #tpu.memory_space<hbm>> -> memref<4096xf32, #tpu.memory_space<hbm>>
      tpu.enqueue_dma source(%dma_start3A_55 : memref<4096xf32, #tpu.memory_space<hbm>>) target(%dma_start3A_52 : memref<4096xf32, #tpu.memory_space<vmem>>) target_semaphore(%arg11 : memref<!tpu.dma_semaphore, #tpu.memory_space<semaphore_mem>>)
      %dma_wait3A = arith.constant 0 : i32
      %dma_wait3A_56 = tpu.memref_slice %arg4[%add3A_33, %dma_wait3A] : memref<64x100000xf32, #tpu.memory_space<hbm>> -> memref<1x100000xf32, #tpu.memory_space<hbm>>
      %dma_wait3A_57 = tpu.memref_squeeze %dma_wait3A_56 : memref<1x100000xf32, #tpu.memory_space<hbm>> -> memref<100000xf32, #tpu.memory_space<hbm>>
      %dma_wait3A_58 = arith.constant 0 : i32
      %dma_wait3A_59 = tpu.memref_slice %arg4[%add3A_33, %dma_wait3A_58] : memref<64x100000xf32, #tpu.memory_space<hbm>> -> memref<1x100000xf32, #tpu.memory_space<hbm>>
      %dma_wait3A_60 = tpu.memref_squeeze %dma_wait3A_59 : memref<1x100000xf32, #tpu.memory_space<hbm>> -> memref<100000xf32, #tpu.memory_space<hbm>>
      tpu.wait_dma2 semaphore(%arg10 : memref<!tpu.dma_semaphore, #tpu.memory_space<semaphore_mem>>) src(%dma_wait3A_60 : memref<100000xf32, #tpu.memory_space<hbm>>) dst(%arg7 : memref<100000xf32, #tpu.memory_space<vmem>>)
      %scan3A_61 = arith.constant 0 : i32
      %scan3A_62 = arith.constant 4 : i32
      %scan3A_63 = arith.addi %scan3A_61, %scan3A_62 : i32
      %scan3A_64 = arith.constant 1 : i32
      %scan3A_65:8 = scf.for %scan3A_67 = %scan3A_61 to %scan3A_63 step %scan3A_64 iter_args(%scan3A_68 = %scan3A_23, %scan3A_69 = %scan3A_24, %scan3A_70 = %scan3A_25, %scan3A_71 = %scan3A_26, %scan3A_72 = %scan3A_27, %scan3A_73 = %scan3A_28, %scan3A_74 = %scan3A_29, %scan3A_75 = %scan3A_30) -> (vector<16xf32>, vector<16xf32>, vector<16xf32>, vector<16xf32>, vector<16xf32>, vector<16xf32>, vector<16xf32>, vector<16xf32>)  : i32 {
        %jit3A = arith.constant 2 : i32
        %eq3A = arith.constant 0 : i32
        %eq3A_76 = arith.cmpi eq, %jit3A, %eq3A : i32
        %jit3A_77 = arith.constant 1 : i32
        %select_n3A = arith.select %eq3A_76, %jit3A_77, %jit3A : i32
        %rem3A = arith.remsi %scan3A_67, %select_n3A : i32
        %ne3A = arith.constant 0 : i32
        %ne3A_78 = arith.cmpi ne, %rem3A, %ne3A : i32
        %lt3A = arith.constant 0 : i32
        %lt3A_79 = arith.cmpi slt, %rem3A, %lt3A : i32
        %lt3A_80 = arith.constant 0 : i32
        %lt3A_81 = arith.cmpi slt, %select_n3A, %lt3A_80 : i32
        %ne3A_82 = arith.xori %lt3A_79, %lt3A_81 : i1
        %and3A = arith.andi %ne3A_82, %ne3A_78 : i1
        %add3A_83 = arith.addi %rem3A, %select_n3A : i32
        %select_n3A_84 = arith.select %and3A, %add3A_83, %rem3A : i32
        %mul3A_85 = arith.constant 4096 : i32
        %mul3A_86 = arith.muli %select_n3A_84, %mul3A_85 : i32
        %mul3A_87 = arith.constant 4096 : i32
        %mul3A_88 = arith.muli %scan3A_67, %mul3A_87 : i32
        %dma_wait3A_89 = tpu.memref_slice %arg8[%mul3A_86] : memref<8192xf32, #tpu.memory_space<vmem>> -> memref<4096xf32, #tpu.memory_space<vmem>>
        %dma_wait3A_90 = tpu.memref_slice %arg2[%add3A_33, %mul3A_88] : memref<64x16384xf32, #tpu.memory_space<hbm>> -> memref<1x4096xf32, #tpu.memory_space<hbm>>
        %dma_wait3A_91 = tpu.memref_squeeze %dma_wait3A_90 : memref<1x4096xf32, #tpu.memory_space<hbm>> -> memref<4096xf32, #tpu.memory_space<hbm>>
        %dma_wait3A_92 = tpu.memref_slice %arg8[%mul3A_86] : memref<8192xf32, #tpu.memory_space<vmem>> -> memref<4096xf32, #tpu.memory_space<vmem>>
        %dma_wait3A_93 = tpu.memref_slice %arg2[%add3A_33, %mul3A_88] : memref<64x16384xf32, #tpu.memory_space<hbm>> -> memref<1x4096xf32, #tpu.memory_space<hbm>>
        %dma_wait3A_94 = tpu.memref_squeeze %dma_wait3A_93 : memref<1x4096xf32, #tpu.memory_space<hbm>> -> memref<4096xf32, #tpu.memory_space<hbm>>
        tpu.wait_dma2 semaphore(%arg11 : memref<!tpu.dma_semaphore, #tpu.memory_space<semaphore_mem>>) src(%dma_wait3A_94 : memref<4096xf32, #tpu.memory_space<hbm>>) dst(%dma_wait3A_92 : memref<4096xf32, #tpu.memory_space<vmem>>)
        %scan3A_95 = arith.constant 0 : i32
        %scan3A_96 = arith.constant 32 : i32
        %scan3A_97 = arith.addi %scan3A_95, %scan3A_96 : i32
        %scan3A_98 = arith.constant 1 : i32
        %scan3A_99:8 = scf.for %scan3A_108 = %scan3A_95 to %scan3A_97 step %scan3A_98 iter_args(%scan3A_109 = %scan3A_68, %scan3A_110 = %scan3A_69, %scan3A_111 = %scan3A_70, %scan3A_112 = %scan3A_71, %scan3A_113 = %scan3A_72, %scan3A_114 = %scan3A_73, %scan3A_115 = %scan3A_74, %scan3A_116 = %scan3A_75) -> (vector<16xf32>, vector<16xf32>, vector<16xf32>, vector<16xf32>, vector<16xf32>, vector<16xf32>, vector<16xf32>, vector<16xf32>)  : i32 {
          %mul3A_117 = arith.constant 4096 : i32
          %mul3A_118 = arith.muli %scan3A_67, %mul3A_117 : i32
          %mul3A_119 = arith.constant 8 : i32
          %mul3A_120 = arith.muli %scan3A_108, %mul3A_119 : i32
          %mul3A_121 = arith.constant 16 : i32
          %mul3A_122 = arith.muli %mul3A_120, %mul3A_121 : i32
          %add3A_123 = arith.addi %mul3A_118, %mul3A_122 : i32
          %mul3A_124 = arith.constant 8 : i32
          %mul3A_125 = arith.muli %scan3A_108, %mul3A_124 : i32
          %mul3A_126 = arith.constant 16 : i32
          %mul3A_127 = arith.muli %mul3A_125, %mul3A_126 : i32
          %add3A_128 = arith.addi %mul3A_86, %mul3A_127 : i32
          %add3A_129 = arith.constant 0 : i32
          %add3A_130 = arith.addi %add3A_123, %add3A_129 : i32
          %get3A = arith.index_cast %add3A_130 : i32 to index
          %get3A_131 = tpu.vector_load %arg6[%get3A] {strides = array<i32>} : memref<16384xi32, #tpu.memory_space<vmem>>, vector<16xi32>,
          %gather3A = tpu.vector_load_idx %arg7[%get3A_131] : memref<100000xf32, #tpu.memory_space<vmem>>[vector<16xi32>], vector<16xf32>,
          %add3A_132 = arith.constant 0 : i32
          %add3A_133 = arith.addi %add3A_128, %add3A_132 : i32
          %get3A_134 = arith.index_cast %add3A_133 : i32 to index
          %get3A_135 = tpu.vector_load %arg8[%get3A_134] {strides = array<i32>} : memref<8192xf32, #tpu.memory_space<vmem>>, vector<16xf32>,
          %sub3A = arith.subf %get3A_135, %gather3A : vector<16xf32>
          %mul3A_136 = arith.mulf %sub3A, %sub3A : vector<16xf32>
          %add3A_137 = arith.addf %scan3A_109, %mul3A_136 : vector<16xf32>
          %add3A_138 = arith.constant 16 : i32
          %add3A_139 = arith.addi %add3A_123, %add3A_138 : i32
          %get3A_140 = arith.index_cast %add3A_139 : i32 to index
          %get3A_141 = tpu.vector_load %arg6[%get3A_140] {strides = array<i32>} : memref<16384xi32, #tpu.memory_space<vmem>>, vector<16xi32>,
          %gather3A_142 = tpu.vector_load_idx %arg7[%get3A_141] : memref<100000xf32, #tpu.memory_space<vmem>>[vector<16xi32>], vector<16xf32>,
          %add3A_143 = arith.constant 16 : i32
          %add3A_144 = arith.addi %add3A_128, %add3A_143 : i32
          %get3A_145 = arith.index_cast %add3A_144 : i32 to index
          %get3A_146 = tpu.vector_load %arg8[%get3A_145] {strides = array<i32>} : memref<8192xf32, #tpu.memory_space<vmem>>, vector<16xf32>,
          %sub3A_147 = arith.subf %get3A_146, %gather3A_142 : vector<16xf32>
          %mul3A_148 = arith.mulf %sub3A_147, %sub3A_147 : vector<16xf32>
          %add3A_149 = arith.addf %scan3A_110, %mul3A_148 : vector<16xf32>
          %add3A_150 = arith.constant 32 : i32
          %add3A_151 = arith.addi %add3A_123, %add3A_150 : i32
          %get3A_152 = arith.index_cast %add3A_151 : i32 to index
          %get3A_153 = tpu.vector_load %arg6[%get3A_152] {strides = array<i32>} : memref<16384xi32, #tpu.memory_space<vmem>>, vector<16xi32>,
          %gather3A_154 = tpu.vector_load_idx %arg7[%get3A_153] : memref<100000xf32, #tpu.memory_space<vmem>>[vector<16xi32>], vector<16xf32>,
          %add3A_155 = arith.constant 32 : i32
          %add3A_156 = arith.addi %add3A_128, %add3A_155 : i32
          %get3A_157 = arith.index_cast %add3A_156 : i32 to index
          %get3A_158 = tpu.vector_load %arg8[%get3A_157] {strides = array<i32>} : memref<8192xf32, #tpu.memory_space<vmem>>, vector<16xf32>,
          %sub3A_159 = arith.subf %get3A_158, %gather3A_154 : vector<16xf32>
          %mul3A_160 = arith.mulf %sub3A_159, %sub3A_159 : vector<16xf32>
          %add3A_161 = arith.addf %scan3A_111, %mul3A_160 : vector<16xf32>
          %add3A_162 = arith.constant 48 : i32
          %add3A_163 = arith.addi %add3A_123, %add3A_162 : i32
          %get3A_164 = arith.index_cast %add3A_163 : i32 to index
          %get3A_165 = tpu.vector_load %arg6[%get3A_164] {strides = array<i32>} : memref<16384xi32, #tpu.memory_space<vmem>>, vector<16xi32>,
          %gather3A_166 = tpu.vector_load_idx %arg7[%get3A_165] : memref<100000xf32, #tpu.memory_space<vmem>>[vector<16xi32>], vector<16xf32>,
          %add3A_167 = arith.constant 48 : i32
          %add3A_168 = arith.addi %add3A_128, %add3A_167 : i32
          %get3A_169 = arith.index_cast %add3A_168 : i32 to index
          %get3A_170 = tpu.vector_load %arg8[%get3A_169] {strides = array<i32>} : memref<8192xf32, #tpu.memory_space<vmem>>, vector<16xf32>,
          %sub3A_171 = arith.subf %get3A_170, %gather3A_166 : vector<16xf32>
          %mul3A_172 = arith.mulf %sub3A_171, %sub3A_171 : vector<16xf32>
          %add3A_173 = arith.addf %scan3A_112, %mul3A_172 : vector<16xf32>
          %add3A_174 = arith.constant 64 : i32
          %add3A_175 = arith.addi %add3A_123, %add3A_174 : i32
          %get3A_176 = arith.index_cast %add3A_175 : i32 to index
          %get3A_177 = tpu.vector_load %arg6[%get3A_176] {strides = array<i32>} : memref<16384xi32, #tpu.memory_space<vmem>>, vector<16xi32>,
          %gather3A_178 = tpu.vector_load_idx %arg7[%get3A_177] : memref<100000xf32, #tpu.memory_space<vmem>>[vector<16xi32>], vector<16xf32>,
          %add3A_179 = arith.constant 64 : i32
          %add3A_180 = arith.addi %add3A_128, %add3A_179 : i32
          %get3A_181 = arith.index_cast %add3A_180 : i32 to index
          %get3A_182 = tpu.vector_load %arg8[%get3A_181] {strides = array<i32>} : memref<8192xf32, #tpu.memory_space<vmem>>, vector<16xf32>,
          %sub3A_183 = arith.subf %get3A_182, %gather3A_178 : vector<16xf32>
          %mul3A_184 = arith.mulf %sub3A_183, %sub3A_183 : vector<16xf32>
          %add3A_185 = arith.addf %scan3A_113, %mul3A_184 : vector<16xf32>
          %add3A_186 = arith.constant 80 : i32
          %add3A_187 = arith.addi %add3A_123, %add3A_186 : i32
          %get3A_188 = arith.index_cast %add3A_187 : i32 to index
          %get3A_189 = tpu.vector_load %arg6[%get3A_188] {strides = array<i32>} : memref<16384xi32, #tpu.memory_space<vmem>>, vector<16xi32>,
          %gather3A_190 = tpu.vector_load_idx %arg7[%get3A_189] : memref<100000xf32, #tpu.memory_space<vmem>>[vector<16xi32>], vector<16xf32>,
          %add3A_191 = arith.constant 80 : i32
          %add3A_192 = arith.addi %add3A_128, %add3A_191 : i32
          %get3A_193 = arith.index_cast %add3A_192 : i32 to index
          %get3A_194 = tpu.vector_load %arg8[%get3A_193] {strides = array<i32>} : memref<8192xf32, #tpu.memory_space<vmem>>, vector<16xf32>,
          %sub3A_195 = arith.subf %get3A_194, %gather3A_190 : vector<16xf32>
          %mul3A_196 = arith.mulf %sub3A_195, %sub3A_195 : vector<16xf32>
          %add3A_197 = arith.addf %scan3A_114, %mul3A_196 : vector<16xf32>
          %add3A_198 = arith.constant 96 : i32
          %add3A_199 = arith.addi %add3A_123, %add3A_198 : i32
          %get3A_200 = arith.index_cast %add3A_199 : i32 to index
          %get3A_201 = tpu.vector_load %arg6[%get3A_200] {strides = array<i32>} : memref<16384xi32, #tpu.memory_space<vmem>>, vector<16xi32>,
          %gather3A_202 = tpu.vector_load_idx %arg7[%get3A_201] : memref<100000xf32, #tpu.memory_space<vmem>>[vector<16xi32>], vector<16xf32>,
          %add3A_203 = arith.constant 96 : i32
          %add3A_204 = arith.addi %add3A_128, %add3A_203 : i32
          %get3A_205 = arith.index_cast %add3A_204 : i32 to index
          %get3A_206 = tpu.vector_load %arg8[%get3A_205] {strides = array<i32>} : memref<8192xf32, #tpu.memory_space<vmem>>, vector<16xf32>,
          %sub3A_207 = arith.subf %get3A_206, %gather3A_202 : vector<16xf32>
          %mul3A_208 = arith.mulf %sub3A_207, %sub3A_207 : vector<16xf32>
          %add3A_209 = arith.addf %scan3A_115, %mul3A_208 : vector<16xf32>
          %add3A_210 = arith.constant 112 : i32
          %add3A_211 = arith.addi %add3A_123, %add3A_210 : i32
          %get3A_212 = arith.index_cast %add3A_211 : i32 to index
          %get3A_213 = tpu.vector_load %arg6[%get3A_212] {strides = array<i32>} : memref<16384xi32, #tpu.memory_space<vmem>>, vector<16xi32>,
          %gather3A_214 = tpu.vector_load_idx %arg7[%get3A_213] : memref<100000xf32, #tpu.memory_space<vmem>>[vector<16xi32>], vector<16xf32>,
          %add3A_215 = arith.constant 112 : i32
          %add3A_216 = arith.addi %add3A_128, %add3A_215 : i32
          %get3A_217 = arith.index_cast %add3A_216 : i32 to index
          %get3A_218 = tpu.vector_load %arg8[%get3A_217] {strides = array<i32>} : memref<8192xf32, #tpu.memory_space<vmem>>, vector<16xf32>,
          %sub3A_219 = arith.subf %get3A_218, %gather3A_214 : vector<16xf32>
          %mul3A_220 = arith.mulf %sub3A_219, %sub3A_219 : vector<16xf32>
          %add3A_221 = arith.addf %scan3A_116, %mul3A_220 : vector<16xf32>
          scf.yield %add3A_137, %add3A_149, %add3A_161, %add3A_173, %add3A_185, %add3A_197, %add3A_209, %add3A_221 : vector<16xf32>, vector<16xf32>, vector<16xf32>, vector<16xf32>, vector<16xf32>, vector<16xf32>, vector<16xf32>, vector<16xf32>
        }
        %scan3A_100 = arith.constant 32 : i32
        %add3A_101 = arith.constant 2 : i32
        %add3A_102 = arith.addi %scan3A_67, %add3A_101 : i32
        %lt3A_103 = arith.constant 4 : i32
        %lt3A_104 = arith.cmpi slt, %add3A_102, %lt3A_103 : i32
        %convert_element_type3A_105 = arith.extui %lt3A_104 : i1 to i32
        %cond3A_106 = arith.constant 0 : i32
        %cond3A_107 = arith.cmpi ne, %convert_element_type3A_105, %cond3A_106 : i32
        scf.if %cond3A_107 {
          %add3A_108 = arith.constant 2 : i32
          %add3A_109 = arith.addi %scan3A_67, %add3A_108 : i32
          %mul3A_110 = arith.constant 4096 : i32
          %mul3A_111 = arith.muli %add3A_109, %mul3A_110 : i32
          %dma_start3A_112 = tpu.memref_slice %arg8[%mul3A_86] : memref<8192xf32, #tpu.memory_space<vmem>> -> memref<4096xf32, #tpu.memory_space<vmem>>
          %dma_start3A_113 = tpu.memref_slice %arg2[%add3A_33, %mul3A_111] : memref<64x16384xf32, #tpu.memory_space<hbm>> -> memref<1x4096xf32, #tpu.memory_space<hbm>>
          %dma_start3A_114 = tpu.memref_squeeze %dma_start3A_113 : memref<1x4096xf32, #tpu.memory_space<hbm>> -> memref<4096xf32, #tpu.memory_space<hbm>>
          %dma_start3A_115 = tpu.memref_slice %arg8[%mul3A_86] : memref<8192xf32, #tpu.memory_space<vmem>> -> memref<4096xf32, #tpu.memory_space<vmem>>
          %dma_start3A_116 = tpu.memref_slice %arg2[%add3A_33, %mul3A_111] : memref<64x16384xf32, #tpu.memory_space<hbm>> -> memref<1x4096xf32, #tpu.memory_space<hbm>>
          %dma_start3A_117 = tpu.memref_squeeze %dma_start3A_116 : memref<1x4096xf32, #tpu.memory_space<hbm>> -> memref<4096xf32, #tpu.memory_space<hbm>>
          tpu.enqueue_dma source(%dma_start3A_117 : memref<4096xf32, #tpu.memory_space<hbm>>) target(%dma_start3A_115 : memref<4096xf32, #tpu.memory_space<vmem>>) target_semaphore(%arg11 : memref<!tpu.dma_semaphore, #tpu.memory_space<semaphore_mem>>)
        } else {
        }
        scf.yield %scan3A_99#0, %scan3A_99#1, %scan3A_99#2, %scan3A_99#3, %scan3A_99#4, %scan3A_99#5, %scan3A_99#6, %scan3A_99#7 : vector<16xf32>, vector<16xf32>, vector<16xf32>, vector<16xf32>, vector<16xf32>, vector<16xf32>, vector<16xf32>, vector<16xf32>
      }
      %scan3A_66 = arith.constant 4 : i32
      scf.yield %scan3A_65#0, %scan3A_65#1, %scan3A_65#2, %scan3A_65#3, %scan3A_65#4, %scan3A_65#5, %scan3A_65#6, %scan3A_65#7 : vector<16xf32>, vector<16xf32>, vector<16xf32>, vector<16xf32>, vector<16xf32>, vector<16xf32>, vector<16xf32>, vector<16xf32>
    }
    %scan3A_11 = arith.constant 2 : i32
    %add3A_12 = arith.addf %scan3A_10#0, %scan3A_10#1 : vector<16xf32>
    %add3A_13 = arith.addf %scan3A_10#2, %scan3A_10#3 : vector<16xf32>
    %add3A_14 = arith.addf %add3A_12, %add3A_13 : vector<16xf32>
    %add3A_15 = arith.addf %scan3A_10#4, %scan3A_10#5 : vector<16xf32>
    %add3A_16 = arith.addf %scan3A_10#6, %scan3A_10#7 : vector<16xf32>
    %add3A_17 = arith.addf %add3A_15, %add3A_16 : vector<16xf32>
    %add3A_18 = arith.addf %add3A_14, %add3A_17 : vector<16xf32>
    %swap3A = arith.constant 0 : index
    %swap3A_19 = tpu.vector_load %arg9[%swap3A] {strides = array<i32>} : memref<16xf32, #tpu.memory_space<vmem>>, vector<16xf32>,
    tpu.vector_store %arg9[%swap3A], %add3A_18 {strides = array<i32>} : memref<16xf32, #tpu.memory_space<vmem>>, vector<16xf32>,
    %mul3A_20 = arith.constant 16 : i32
    %mul3A_21 = arith.muli %add3A, %mul3A_20 : i32
    "tpu.region"() ({
      %run_scoped3A = tpu.sem_alloc : memref<!tpu.dma_semaphore, #tpu.memory_space<semaphore_mem>>
      %dma_start3A_22 = tpu.memref_slice %arg5[%mul3A_21] : memref<512xf32, #tpu.memory_space<hbm>> -> memref<16xf32, #tpu.memory_space<hbm>>
      %dma_start3A_23 = tpu.memref_slice %arg5[%mul3A_21] : memref<512xf32, #tpu.memory_space<hbm>> -> memref<16xf32, #tpu.memory_space<hbm>>
      tpu.enqueue_dma source(%arg9 : memref<16xf32, #tpu.memory_space<vmem>>) target(%dma_start3A_23 : memref<16xf32, #tpu.memory_space<hbm>>) target_semaphore(%run_scoped3A : memref<!tpu.dma_semaphore, #tpu.memory_space<semaphore_mem>>)
      %dma_wait3A = tpu.memref_slice %arg5[%mul3A_21] : memref<512xf32, #tpu.memory_space<hbm>> -> memref<16xf32, #tpu.memory_space<hbm>>
      %dma_wait3A_24 = tpu.memref_slice %arg5[%mul3A_21] : memref<512xf32, #tpu.memory_space<hbm>> -> memref<16xf32, #tpu.memory_space<hbm>>
      tpu.wait_dma2 semaphore(%run_scoped3A : memref<!tpu.dma_semaphore, #tpu.memory_space<semaphore_mem>>) src(%arg9 : memref<16xf32, #tpu.memory_space<vmem>>) dst(%dma_wait3A_24 : memref<16xf32, #tpu.memory_space<hbm>>)
      tpu.yield
    }) : () -> ()
    return
  }
}

</mosaic_0001>

<sc_bundles>
// kernel: kernel.3.cloned.1.call-start
scs
__scs_entry_jumppad:
0x0: {  	(pc) =	sbr.rel $0x88, $3  }
0x1: {  	(tag) =	ssettag $0x0;
	lr =	simm.s32 $0x1  }
0x2: {  	[smem:$0x3F9E] =	sst lr;
	_ =	strace $0xD0000000  }
0x3: {  	_ = 	snop  }
0x4: {  	_ = 	snop  }
0x5: {  	_ = 	snop  }
0x6: {  	_ = 	snop  }
0x7: {  	_ = 	snop  }
__scs_overlays_trampoline_lowered:
0x8: {  	[smem:$0x3FAD] =	sst s0  }
0x9: {  	[smem:$0x3FAE] =	sst s1  }
0xa: {  	[smem:$0x3FAF] =	sst s2  }
0xb: {  	[smem:$0x3FB0] =	sst s3  }
0xc: {  	[smem:$0x3FB1] =	sst s4  }
0xd: {  	[smem:$0x3FB2] =	sst s5  }
0xe: {  	[smem:$0x3FB3] =	sst s6  }
0xf: {  	[smem:$0x3FB4] =	sst s7  }
0x10: {  	[smem:$0x3FB5] =	sst s8  }
0x11: {  	[smem:$0x3FB6] =	sst s9;
	s0 =	simm.s32 @!p0 $0x0  }
0x12: {  	s1 =	sld [smem:$0x3F9C];
	s0 =	simm.s32 @p0 $0x1  }
0x13: {  	[smem:$0x3FB7] =	sst s0;
	s0 =	simm.s32 @!p1 $0x0  }
0x14: {  	s2 =	sld [smem:$0x3F9B];
	s0 =	simm.s32 @p1 $0x1  }
0x15: {  	[smem:$0x3FB8] =	sst s0;
	s0 =	simm.s32 @!p2 $0x0  }
0x16: {  	s3 =	sld [smem:$0x3FDB];
	s0 =	simm.s32 @p2 $0x1  }
0x17: {  	s4 =	simm.s32 $0x1BF5;
	[smem:$0x3FBA] =	sst s0  }
0x18: {  	s0 =	sld [smem:$0x3F9D];
	_ =	swait.ge [sflag:s4], $0x0  }
0x19: {  	s7 =	sld [smem:$0x3F9E]  }
0x1a: {  	s8 =	sadd.s32 $0xFFFFE003, lr  }
0x1b: {  	s9 =	sadd.s32 $0xFFFFFEF7, lr;
	s5 =	simm.s32 $0xFFFFFFFF;
	p2 =	slt.u32 s8, $0xFFFFF086  }
0x1c: {  	p1 =	slt.u32 s9, $0xF7A;
	s5 =	simm.s32 @!p2 $0x0  }
0x1d: {  	s5 =	simm.s32 @p1 $0x1;
	p0 =	seq.s32 s7, s2  }
0x1e: {  	s7 =	smul.u32 @!p0 $0xF7A, s2;
	p2 =	seq.s32 @!p0 s5, $0x0  }
0x1f: {  	s9 =	smul.u32 $0xF7A, s1;
	s8 =	simm.s32 @!p0 $0x1BF5;
	p2 =	por !p2, p0  }
0x20: {  	[sflag:s8] =	ssyncset.s32 @!p0 $0xFFFFF086;
	s6 =	sadd.s32 @!p0 s3, s7;
	s7 =	simm.s32 @!p0 $0x108  }
0x21: {  	s3 =	sadd.s32 s3, s9;
	s6 =	sadd.s32 @!p0 $0x88, s6;
	s7 =	simm.s32 @p2 $0x1082  }
0x22: {  	[simem:s7], [sflag:s8] =	dma.local @!p0 [hbm:s6], $0xF7A  }
0x23: {  	s9 =	sor.u32 $0xD0000000, s2;
	s6 =	simm.s32 $0x108;
	_ =	swait.ge @!p0 [sflag:s8], $0x0  }
0x24: {  	s3 =	sadd.s32 $0x88, s3;
	s6 =	simm.s32 @!p1 $0x1082;
	[sflag:s4] =	ssyncset.s32 $0xFFFFF086  }
0x25: {  	[simem:s6], [sflag:s4] =	dma.local [hbm:s3], $0xF7A  }
0x26: {  	[smem:$0x3F9E] =	sst s1;
	(tag) =	ssettag s2;
	_ =	strace s9  }
0x27: {  	s1 =	sld [smem:$0x3FAE]  }
0x28: {  	s2 =	sld [smem:$0x3FAF]  }
0x29: {  	s4 =	sld [smem:$0x3FB1]  }
0x2a: {  	p0 =	seq.s32 s5, $0x0;
	s5 =	sld [smem:$0x3FB2]  }
0x2b: {  	s6 =	sld [smem:$0x3FB3]  }
0x2c: {  	s7 =	sld [smem:$0x3FB4]  }
0x2d: {  	s3 =	simm.s32 $0x108;
	s8 =	sld [smem:$0x3FB5]  }
0x2e: {  	s3 =	simm.s32 @!p0 $0x1082;
	s9 =	sld [smem:$0x3FB6]  }
0x2f: {  	lr =	sadd.s32 s0, s3;
	s0 =	sld [smem:$0x3FAD]  }
0x30: {  	s3 =	sld [smem:$0x3FB0]  }
0x31: {  	[smem:$0x3FB9] =	sst s10  }
0x32: {  	s10 =	sld [smem:$0x3FB7];
	_ =	sdelay $0x3  }
0x33: {  	p0 =	seq.s32 s10, $0x1;
	s10 =	sld [smem:$0x3FB9];
	_ =	sdelay $0x3  }
0x34: {  	[smem:$0x3FB9] =	sst s10  }
0x35: {  	s10 =	sld [smem:$0x3FB8];
	_ =	sdelay $0x3  }
0x36: {  	p1 =	seq.s32 s10, $0x1;
	s10 =	sld [smem:$0x3FB9];
	_ =	sdelay $0x3  }
0x37: {  	[smem:$0x3FB9] =	sst s10  }
0x38: {  	s10 =	sld [smem:$0x3FBA]  }
0x39: {  	_ = 	snop;
	(pc) =	sbr.ind lr, $3  }
0x3a: {  	_ = 	snop  }
0x3b: {  	_ = 	snop  }
0x3c: {  	p2 =	seq.s32 s10, $0x1;
	s10 =	sld [smem:$0x3FB9]  }
0x3d: {  	_ =	shalt  }
0x3e: {  	_ =	shalt  }
0x3f: {  	_ =	shalt  }
0x40: {  	_ =	shalt  }
0x41: {  	_ =	shalt  }
0x42: {  	_ =	shalt  }
0x43: {  	_ =	shalt  }
0x44: {  	_ =	shalt  }
0x45: {  	_ =	shalt  }
0x46: {  	_ =	shalt  }
0x47: {  	_ =	shalt  }
0x48: {  	_ =	shalt  }
0x49: {  	_ =	shalt  }
0x4a: {  	_ =	shalt  }
0x4b: {  	_ =	shalt  }
0x4c: {  	_ =	shalt  }
0x4d: {  	_ =	shalt  }
0x4e: {  	_ =	shalt  }
0x4f: {  	_ =	shalt  }
0x50: {  	_ =	shalt  }
0x51: {  	_ =	shalt  }
0x52: {  	_ =	shalt  }
0x53: {  	_ =	shalt  }
0x54: {  	_ =	shalt  }
0x55: {  	_ =	shalt  }
0x56: {  	_ =	shalt  }
0x57: {  	_ =	shalt  }
0x58: {  	_ =	shalt  }
0x59: {  	_ =	shalt  }
0x5a: {  	_ =	shalt  }
0x5b: {  	_ =	shalt  }
0x5c: {  	_ =	shalt  }
0x5d: {  	_ =	shalt  }
0x5e: {  	_ =	shalt  }
0x5f: {  	_ =	shalt  }
0x60: {  	_ =	shalt  }
0x61: {  	_ =	shalt  }
0x62: {  	_ =	shalt  }
0x63: {  	_ =	shalt  }
0x64: {  	_ =	shalt  }
0x65: {  	_ =	shalt  }
0x66: {  	_ =	shalt  }
0x67: {  	_ =	shalt  }
0x68: {  	_ =	shalt  }
0x69: {  	_ =	shalt  }
0x6a: {  	_ =	shalt  }
0x6b: {  	_ =	shalt  }
0x6c: {  	_ =	shalt  }
0x6d: {  	_ =	shalt  }
0x6e: {  	_ =	shalt  }
0x6f: {  	_ =	shalt  }
0x70: {  	_ =	shalt  }
0x71: {  	_ =	shalt  }
0x72: {  	_ =	shalt  }
0x73: {  	_ =	shalt  }
0x74: {  	_ =	shalt  }
0x75: {  	_ =	shalt  }
0x76: {  	_ =	shalt  }
0x77: {  	_ =	shalt  }
0x78: {  	_ =	shalt  }
0x79: {  	_ =	shalt  }
0x7a: {  	_ =	shalt  }
0x7b: {  	_ =	shalt  }
0x7c: {  	_ =	shalt  }
0x7d: {  	_ =	shalt  }
0x7e: {  	_ =	shalt  }
0x7f: {  	_ =	shalt  }
0x80: {  	_ =	shalt  }
0x81: {  	_ =	shalt  }
0x82: {  	_ =	shalt  }
0x83: {  	_ =	shalt  }
0x84: {  	_ =	shalt  }
0x85: {  	_ =	shalt  }
0x86: {  	_ =	shalt  }
0x87: {  	_ =	shalt  }
.Lfunc_end0:
.L_simem_size_0:
called_computation_lowered:
.L_overlay_start_0:
0x88: {  	s2 =	sld [smem:$0x3FD9]  }
0x89: {  	s3 =	sld [smem:$0x3FFE];
	_ =	sdelay $0x1  }
0x8a: {  	s1 =	srdreg.scid  }
0x8b: {  	s0 =	sand.u32 $0x1, s1  }
0x8c: {  	s17 =	sshll.u32 s0, $0xA;
	s2 =	sadd.s32 s3, s2  }
0x8d: {  	s2 =	sadd.s32 s2, s17  }
0x8e: {  	[smem:$0x3FC5] =	sst s2  }
0x8f: {  	_ = 	snop  }
0x90: {  	s2 =	sld [smem:$0x3FC9]  }
0x91: {  	s18 =	sld [smem:$0x3FC8]  }
0x92: {  	s4 =	sld [smem:$0x3FC7];
	(tm) =	ssettm $0x1  }
0x93: {  	s5 =	sld [smem:$0x3FFB];
	_ =	sdelay $0x3  }
0x94: {  	_ =	strace s5  }
0x95: {  	s5 =	sld [smem:$0x3FFC];
	_ =	sdelay $0x3  }
0x96: {  	_ =	strace s5  }
0x97: {  	s5 =	sld [smem:$0x3FFD];
	_ =	sdelay $0x3  }
0x98: {  	_ =	strace s5  }
0x99: {  	_ =	strace $0x8FFFFFFF  }
0x9a: {  	s19 =	sld [smem:$0x3FDB];
	_ =	sdelay $0x1  }
0x9b: {  	s6 =	simm.s32 $_scs_section_size  }
0x9c: {  	s7 =	simm.s32 $_size__tile_overlayer_lowered;
	s8 =	simm.s32 $_tile_overlayer_lowered  }
0x9d: {  	s22 =	simm.s32 $0x1BFF;
	s21 =	sshll.u32 s8, $0x1;
	s5 =	sadd.s32 s6, s19  }
0x9e: {  	s9 =	simm.s32 $0x0;
	s20 =	sshll.u32 s7, $0x1;
	s7 =	sadd.s32 s21, s5  }
0x9f: {  	[timem:s9], [sflag:s22] =	dma.local [hbm:s7], s20  }
0xa0: {  	_ =	swait.ge [sflag:s22], s20  }
0xa1: {  	s6 =	ssub.s32 $0x0, s20;
	[sflag:s22] =	ssyncset.done $0x0  }
0xa2: {  	[sflag:s22] =	ssyncadd.s32 s6;
	_ =	sdelay $0x1  }
0xa3: {  	s23 =	simm.s32 $0x1B8B  }
0xa4: {  	_ =	swait.ge [sflag:s23], $0x1  }
0xa5: {  	[sflag:s23] =	ssyncset.done $0x0  }
0xa6: {  	s25 =	simm.s32 $0x1B8E;
	s24 =	sld [smem:$0x3FFE];
	[sflag:s23] =	ssyncadd.s32 $0xFFFFFFFF  }
0xa7: {  	s26 =	simm.s32 $execute0_lowered;
	[smem:$0x3FD2] =	sst s25  }
0xa8: {  	s7 =	sshll.u32 s26, $0x1;
	_ =	strace $0x80000046;
	[dreg:$0x1] =	wrdreg $0xFFFFFFFF  }
0xa9: {  	s28 =	simm.s32 $_size_execute0_lowered;
	s5 =	sadd.s32 s5, s7;
	[dreg:$0x0] =	wrdreg $0x0  }
0xaa: {  	s7 =	sshll.u32 s28, $0x1;
	[dreg:$0x2] =	wrdreg s5  }
0xab: {  	[dreg:$0x3] =	wrdreg s7  }
0xac: {  	[dreg:$0x4] =	wrdreg $0xC0  }
0xad: {  	_ =	task [dreg:s9], $0x5FFFF  }
0xae: {  	[dreg:$0x1] =	wrdreg $0xFFFFFFFF  }
0xaf: {  	[dreg:$0x0] =	wrdreg $0x60  }
0xb0: {  	[dreg:$0x2] =	wrdreg s2  }
0xb1: {  	[dreg:$0x3] =	wrdreg s18  }
0xb2: {  	[dreg:$0x4] =	wrdreg s4  }
0xb3: {  	[dreg:$0x5] =	wrdreg s24  }
0xb4: {  	[dreg:$0x6] =	wrdreg $0x9  }
0xb5: {  	_ =	task.clear_ibuf [dreg:s9], $0x7FFFF;
	_ =	strace $0x90000046  }
0xb6: {  	s29 =	simm.s32 $0x9;
	_ =	strace $0x80000048  }
0xb7: {  	_ =	swait.ge [sflag:s29], $0x1  }
0xb8: {  	[sflag:s29] =	ssyncadd.s32 $0xFFFFFFFF  }
0xb9: {  	_ =	strace $0x90000048  }
0xba: {  	_ =	sfence  }
0xbb: {  	s30 =	sld [smem:$0x0];
	_ =	sdelay $0x2  }
0xbc: {  	s31 =	sshll.u32 s1, $0xD;
	s1 =	sshrl.u32 s1, $0x2  }
0xbd: {  	s3 =	sand.u32 $0x4000, s31;
	s1 =	sadd.s32 s1, s30  }
0xbe: {  	s0 =	sor.u32 s3, s0;
	s1 =	sshll.u32 s1, $0x11  }
0xbf: {  	s0 =	sor.u32 s1, s0  }
0xc0: {  	s0 =	sadd.s32 $0x8F2B, s0  }
0xc1: {  	[sflag:s0] =	ssyncadd.remote.s32 $0x1  }
0xc2: {  	_ =	sfence.sel $0xFFFF  }
0xc3: {  	[dreg:$0x0] =	wrdreg $0xFFFFFFFF;
	(pc) =	sbr.abs _section_cstart, $3  }
0xc4: {  	[dreg:$0x1] =	wrdreg $0xFFFFFFFF  }
0xc5: {  	_ =	task.clear_ibuf [dreg:s9], $0x2FFFF;
	_ =	strace $0x9FFFFFFF  }
0xc6: {  	(tm) =	ssettm $0x7FFFFFFF  }
0xc7: {  	_ =	shalt  }
tec
execute0_lowered:
.L_overlay_start_1:
0x0: {  	(tag) =	ssettag $0x1  }
0x1: {  	s1 =	rddreg [dreg:$0x0]  }
0x2: {  	s2 =	rddreg [dreg:$0x1]  }
0x3: {  	s3 =	srdreg.scid;
	s4 =	rddreg [dreg:$0x2]  }
0x4: {  	s0 =	stileid.u32;
	s10 =	rddreg [dreg:$0x3];
	s13 =	simm.s32 $0x400  }
0x5: {  	s14 =	simm.s32 $0x4000;
	s15 =	simm.s32 $0x3;
	s16 =	simm.s32 $0x1C700  }
0x6: {  	s17 =	simm.s32 $0x1D700;
	s18 =	simm.s32 $0x1;
	s19 =	simm.s32 $0x2  }
0x7: {  	s20 =	simm.s32 $0x1E700;
	s21 =	simm.s32 $0x0;
	s7 =	sand.u32 $0x1, s3  }
0x8: {  	s30 =	sshll.u32 s0, $0x1;
	s6 =	sshrl.u32 s0, $0x2;
	s3 =	rddreg [dreg:$0x4]  }
0x9: {  	s5 =	sor.u32 s7, s30;
	s8 =	smul.u32 $0xC3800, s6;
	s6 =	simm.s32 $0x0  }
0xa: {  	s11 =	ssub.s32 $0x2, s7;
	s9 =	sshll.u32 s5, $0x7;
	[smem:$0x7FF] =	sst s6  }
0xb: {  	s31 =	sshrl.u32 s11, $0x1;
	s12 =	sshll.u32 s5, $0x1;
	s7 =	sand.u32 $0x380, s9  }
0xc: {  	_ =	strace $0x80000047;
	s11 =	ssub.s32 s11, s31;
	s8 =	sor.u32 s8, s7  }
0xd: {  	s9 =	sadd.s32 $0x1000, s1;
	s10 =	sadd.s32 s10, s12;
	s8 =	sshrl.u32 s8, $0x3  }
0xe: {  	s12 =	simm.s32 $0x80;
	s11 =	smax.u32 s11, $0x1;
	s8 =	sadd.s32 s4, s8  }
.LBB2_1:
0xf: {  	[tilespmem:s14], [sflag:$0x1] =	stream.strided.gather [hbm4b:s8+s12], $0x18700, s13, s12, $0x38;
	[tilespmem:$0x1E780] =	vst v63  }
0x10: {  	_ = 	snop  }
0x11: {  	[tilespmem:s6], [sflag:$0x3] =	stream.linear.gather [hbm4b:s2+s6], $0x4000, $0x38;
	[tilespmem:$0x1E780] =	vst v63  }
0x12: {  	v8 =	vimm.f32 $0.0e+00;
	v0 =	vimm.f32 $0.0e+00;
	_ =	swait.ge [sflag:s15], $0x4000  }
0x13: {  	v1 =	vimm.f32 $0.0e+00;
	v2 =	vimm.f32 $0.0e+00;
	v3 =	vimm.f32 $0.0e+00;
	p1 =	por $0x1, $0x1;
	[sflag:s15] =	ssyncset.done $0x0  }
0x14: {  	p2 =	por $0x0, $0x0;
	v5 =	vimm.f32 $0.0e+00;
	v6 =	vimm.f32 $0.0e+00;
	v4 =	vimm.f32 $0.0e+00;
	s22 =	simm.s32 $0x0;
	[sflag:s15] =	ssyncadd.s32 $0xFFFFC000  }
.LBB2_2:
0x15: {  	s22 =	sor.u32 s5, s22  }
0x16: {  	s23 =	sshrl.u32 @p2 s22, $0x3  }
0x17: {  	s23 =	smul.u32 @p2 $0xC3800, s23  }
0x18: {  	s22 =	sshll.u32 s22, $0xE  }
0x19: {  	s24 =	simm.s32 @p2 $0x80;
	s22 =	sand.u32 $0xE0000, s22;
	s23 =	sor.u32 @p2 s7, s23  }
0x1a: {  	s25 =	simm.s32 @p2 $0x400;
	s22 =	sor.u32 s7, s22;
	s23 =	sshrl.u32 @p2 s23, $0x3  }
0x1b: {  	s26 =	simm.s32 @p2 $0x4000;
	s30 =	sshrl.u32 s22, $0x3;
	s23 =	sadd.s32 @p2 s4, s23  }
0x1c: {  	[tilespmem:s26], [sflag:$0x1] =	stream.strided.gather @p2 [hbm4b:s23+s24], $0x18700, s25, s24, $0x38;
	[tilespmem:$0x1E780] =	vst v63  }
0x1d: {  	s31 =	sadd.s32 s1, s30  }
0x1e: {  	[tilespmem:s16], [sflag:$0x2] =	stream.strided.gather [hbm4b:s31+s12], $0x1000, s13, s12, $0x38;
	[tilespmem:$0x1E780] =	vst v63  }
0x1f: {  	s23 =	sadd.s32 s30, s9  }
0x20: {  	[tilespmem:s17], [sflag:$0x2] =	stream.strided.gather [hbm4b:s23+s12], $0x1000, s13, s12, $0x38;
	[tilespmem:$0x1E780] =	vst v63  }
0x21: {  	_ =	swait.ge [sflag:s18], $0x18700  }
0x22: {  	p0 =	por p1, p1;
	p1 =	por $0x0, $0x0;
	[sflag:s18] =	ssyncset.done $0x0  }
0x23: {  	s24 =	simm.s32 $0x0;
	s23 =	simm.s32 $0x0;
	[sflag:s18] =	ssyncadd.s32 $0xFFFE7900  }
.LBB2_3:
0x24: {  	v9 =	vmov s23;
	_ =	sdelay $0x1  }
0x25: {  	_ =	swait.ge [sflag:s19], $0x1000  }
0x26: {  	s25 =	simm.s32 $0x1;
	[sflag:s19] =	ssyncset.done $0x0  }
0x27: {  	s29 =	simm.s32 $0x0;
	s25 =	simm.s32 @!p1 $0x0;
	[sflag:s19] =	ssyncadd.s32 $0xFFFFF000  }
0x28: {  	s25 =	sshll.u32 s25, $0xC;
	v10 =	vld.idx.msk [tilespmem:v9+s29+$0x70 ss:$0x1], $0xffff  }
0x29: {  	s25 =	sor.u32 $0x1C740, s25;
	v11 =	vld.idx.msk [tilespmem:v9+s29+$0x0 ss:$0x1], $0xffff  }
0x2a: {  	v7 =	vmov s25;
	v12 =	vld.idx.msk [tilespmem:v9+s29+$0x10 ss:$0x1], $0xffff  }
0x2b: {  	v13 =	vld.idx.msk [tilespmem:v9+s29+$0x20 ss:$0x1], $0xffff  }
0x2c: {  	v16 =	vld.idx.msk [tilespmem:v9+s29+$0x30 ss:$0x1], $0xffff  }
0x2d: {  	v17 =	vld.idx.msk [tilespmem:v9+s29+$0x40 ss:$0x1], $0xffff  }
0x2e: {  	v18 =	vld.idx.msk [tilespmem:v9+s29+$0x50 ss:$0x1], $0xffff  }
0x2f: {  	v19 =	vld.idx.msk [tilespmem:v7+s29+$0x30 ss:$0x1], $0xffff  }
0x30: {  	v21 =	vld.idx.msk [tilespmem:v7+s29+$0xFFFFFFD0 ss:$0x1], $0xffff  }
0x31: {  	v20 =	vld.idx.msk [tilespmem:v10+s14+$0x0], $0xffff  }
0x32: {  	v10 =	vld.idx.msk [tilespmem:v9+s29+$0x60 ss:$0x1], $0xffff  }
0x33: {  	v22 =	vld.idx.msk [tilespmem:v11+s14+$0x0], $0xffff  }
0x34: {  	v15 =	vld.idx.msk [tilespmem:v12+s14+$0x0], $0xffff  }
0x35: {  	v14 =	vld.idx.msk [tilespmem:v13+s14+$0x0], $0xffff  }
0x36: {  	v13 =	vld.idx.msk [tilespmem:v16+s14+$0x0], $0xffff  }
0x37: {  	v12 =	vld.idx.msk [tilespmem:v17+s14+$0x0], $0xffff  }
0x38: {  	v17 =	vld.idx.msk [tilespmem:v7+s29+$0xFFFFFFC0 ss:$0x1], $0xffff  }
0x39: {  	v11 =	vld.idx.msk [tilespmem:v18+s14+$0x0], $0xffff  }
0x3a: {  	v18 =	vld.idx.msk [tilespmem:v7+s29+$0x0 ss:$0x1], $0xffff  }
0x3b: {  	v16 =	vsub.f32 v19, v20;
	v20 =	vld.idx.msk [tilespmem:v7+s29+$0xFFFFFFE0 ss:$0x1], $0xffff  }
0x3c: {  	v19 =	vld.idx.msk [tilespmem:v7+s29+$0xFFFFFFF0 ss:$0x1], $0xffff  }
0x3d: {  	s31 =	sshll.u32 s24, $0xC;
	v22 =	vsub.f32 v17, v22;
	v17 =	vld.idx.msk [tilespmem:v7+s29+$0x20 ss:$0x1], $0xffff;
	v23 =	vmul.f32 v16, v16  }
0x3e: {  	s25 =	sand.u32 $0x1000, s31;
	v16 =	vld.idx.msk [tilespmem:v7+s29+$0x10 ss:$0x1], $0xffff  }
0x3f: {  	s26 =	simm.s32 $0x80;
	s28 =	simm.s32 $0x400;
	s25 =	sor.u32 $0x1C700, s25;
	v10 =	vld.idx.msk [tilespmem:v10+s14+$0x0], $0xffff;
	v8 =	vadd.f32 v23, v8  }
.LBB2_4:
0x40: {  	p2 =	sne.s32 s28, $0x3E00;
	v23 =	vld.idx.msk [tilespmem:v9+s26+$0x70 ss:$0x1], $0xffff;
	v22 =	vmul.f32 v22, v22;
	v15 =	vsub.f32 v21, v15  }
0x41: {  	v14 =	vsub.f32 v20, v14;
	v21 =	vld.idx.msk [tilespmem:v9+s26+$0x0 ss:$0x1], $0xffff  }
0x42: {  	v13 =	vsub.f32 v19, v13;
	v20 =	vld.idx.msk [tilespmem:v9+s26+$0x10 ss:$0x1], $0xffff;
	v4 =	vadd.f32 v22, v4;
	v15 =	vmul.f32 v15, v15  }
0x43: {  	v14 =	vmul.f32 v14, v14;
	v12 =	vsub.f32 v18, v12;
	v19 =	vld.idx.msk [tilespmem:v9+s26+$0x20 ss:$0x1], $0xffff  }
0x44: {  	v13 =	vmul.f32 v13, v13;
	v11 =	vsub.f32 v16, v11;
	v18 =	vld.idx.msk [tilespmem:v9+s26+$0x30 ss:$0x1], $0xffff;
	v6 =	vadd.f32 v15, v6  }
0x45: {  	v5 =	vadd.f32 v14, v5;
	v12 =	vmul.f32 v12, v12;
	v10 =	vsub.f32 v17, v10;
	v16 =	vld.idx.msk [tilespmem:v9+s26+$0x40 ss:$0x1], $0xffff  }
0x46: {  	v3 =	vadd.f32 v13, v3;
	v11 =	vmul.f32 v11, v11;
	v17 =	vld.idx.msk [tilespmem:v9+s26+$0x50 ss:$0x1], $0xffff  }
0x47: {  	v2 =	vadd.f32 v12, v2;
	v10 =	vmul.f32 v10, v10;
	v22 =	vld.idx.msk [tilespmem:v7+s26+$0x30 ss:$0x1], $0xffff  }
0x48: {  	v1 =	vadd.f32 v11, v1;
	v23 =	vld.idx.msk [tilespmem:v23+s14+$0x0], $0xffff  }
0x49: {  	v0 =	vadd.f32 v10, v0;
	v24 =	vld.idx.msk [tilespmem:v9+s26+$0x60 ss:$0x1], $0xffff  }
0x4a: {  	v25 =	vld.idx.msk [tilespmem:v21+s14+$0x0], $0xffff  }
0x4b: {  	v15 =	vld.idx.msk [tilespmem:v20+s14+$0x0], $0xffff  }
0x4c: {  	v14 =	vld.idx.msk [tilespmem:v19+s14+$0x0], $0xffff  }
0x4d: {  	v13 =	vld.idx.msk [tilespmem:v18+s14+$0x0], $0xffff  }
0x4e: {  	v10 =	vsub.f32 v22, v23;
	v12 =	vld.idx.msk [tilespmem:v16+s14+$0x0], $0xffff  }
0x4f: {  	v11 =	vld.idx.msk [tilespmem:v17+s14+$0x0], $0xffff  }
0x50: {  	v17 =	vmul.f32 v10, v10;
	v16 =	vld.idx.msk [tilespmem:v7+s26+$0xFFFFFFC0 ss:$0x1], $0xffff  }
0x51: {  	v10 =	vld.idx.msk [tilespmem:v24+s14+$0x0], $0xffff  }
0x52: {  	v8 =	vadd.f32 v17, v8;
	v21 =	vld.idx.msk [tilespmem:v7+s26+$0xFFFFFFD0 ss:$0x1], $0xffff  }
.Ltmp0:
0x53: {  	v20 =	vld.idx.msk [tilespmem:v7+s26+$0xFFFFFFE0 ss:$0x1], $0xffff;
	(pc) =	sbr.rel @p2 .LBB2_4-.Ltmp0, $4  }
0x54: {  	v19 =	vld.idx.msk [tilespmem:v7+s26+$0xFFFFFFF0 ss:$0x1], $0xffff  }
0x55: {  	v18 =	vld.idx.msk [tilespmem:v7+s26+$0x0 ss:$0x1], $0xffff  }
0x56: {  	v22 =	vsub.f32 v16, v25;
	v16 =	vld.idx.msk [tilespmem:v7+s26+$0x10 ss:$0x1], $0xffff  }
0x57: {  	v17 =	vld.idx.msk [tilespmem:v7+s26+$0x20 ss:$0x1], $0xffff;
	s26 =	sshra.s32 s28, $0x2;
	s28 =	sadd.s32 $0x200, s28  }
0x58: {  	_ =	sdelay $0x3  }
0x59: {  	v23 =	vld.idx.msk [tilespmem:v9+s26+$0x70 ss:$0x1], $0xffff  }
0x5a: {  	v24 =	vld.idx.msk [tilespmem:v9+s26+$0x0 ss:$0x1], $0xffff  }
0x5b: {  	v25 =	vld.idx.msk [tilespmem:v9+s26+$0x10 ss:$0x1], $0xffff  }
0x5c: {  	v26 =	vld.idx.msk [tilespmem:v9+s26+$0x20 ss:$0x1], $0xffff  }
0x5d: {  	v27 =	vld.idx.msk [tilespmem:v9+s26+$0x30 ss:$0x1], $0xffff  }
0x5e: {  	v28 =	vld.idx.msk [tilespmem:v9+s26+$0x40 ss:$0x1], $0xffff  }
0x5f: {  	v29 =	vld.idx.msk [tilespmem:v9+s26+$0x50 ss:$0x1], $0xffff  }
0x60: {  	v30 =	vld.idx.msk [tilespmem:v7+s26+$0x30 ss:$0x1], $0xffff  }
0x61: {  	v9 =	vld.idx.msk [tilespmem:v9+s26+$0x60 ss:$0x1], $0xffff  }
0x62: {  	v52 =	vld.idx.msk [tilespmem:v7+s26+$0xFFFFFFC0 ss:$0x1], $0xffff  }
0x63: {  	v53 =	vld.idx.msk [tilespmem:v7+s26+$0xFFFFFFD0 ss:$0x1], $0xffff  }
0x64: {  	v54 =	vld.idx.msk [tilespmem:v7+s26+$0xFFFFFFE0 ss:$0x1], $0xffff  }
0x65: {  	v55 =	vld.idx.msk [tilespmem:v7+s26+$0xFFFFFFF0 ss:$0x1], $0xffff  }
0x66: {  	v57 =	vld.idx.msk [tilespmem:v7+s26+$0x0 ss:$0x1], $0xffff  }
0x67: {  	v59 =	vld.idx.msk [tilespmem:v7+s26+$0x10 ss:$0x1], $0xffff  }
0x68: {  	v7 =	vld.idx.msk [tilespmem:v7+s26+$0x20 ss:$0x1], $0xffff  }
0x69: {  	v15 =	vsub.f32 v21, v15;
	v23 =	vld.idx.msk [tilespmem:v23+s14+$0x0], $0xffff  }
0x6a: {  	v50 =	vmul.f32 v22, v22;
	v14 =	vsub.f32 v20, v14;
	v24 =	vld.idx.msk [tilespmem:v24+s14+$0x0], $0xffff  }
0x6b: {  	v13 =	vsub.f32 v19, v13;
	v15 =	vmul.f32 v15, v15;
	v12 =	vsub.f32 v18, v12;
	v25 =	vld.idx.msk [tilespmem:v25+s14+$0x0], $0xffff  }
0x6c: {  	v4 =	vadd.f32 v50, v4;
	v14 =	vmul.f32 v14, v14;
	v11 =	vsub.f32 v16, v11;
	v26 =	vld.idx.msk [tilespmem:v26+s14+$0x0], $0xffff  }
0x6d: {  	p2 =	sgt.u32 s24, $0x1;
	v13 =	vmul.f32 v13, v13;
	v6 =	vadd.f32 v15, v6;
	v12 =	vmul.f32 v12, v12;
	v27 =	vld.idx.msk [tilespmem:v27+s14+$0x0], $0xffff  }
0x6e: {  	s26 =	sshll.u32 @!p2 s24, $0xF;
	v5 =	vadd.f32 v14, v5;
	v10 =	vsub.f32 v17, v10;
	v11 =	vmul.f32 v11, v11;
	v9 =	vld.idx.msk [tilespmem:v9+s14+$0x0], $0xffff  }
0x6f: {  	s26 =	sor.u32 @!p2 s22, s26;
	v3 =	vadd.f32 v13, v3;
	v2 =	vadd.f32 v12, v2;
	v28 =	vld.idx.msk [tilespmem:v28+s14+$0x0], $0xffff  }
0x70: {  	s26 =	sshrl.u32 @!p2 s26, $0x3;
	v10 =	vmul.f32 v10, v10;
	v1 =	vadd.f32 v11, v1;
	v51 =	vld.idx.msk [tilespmem:v29+s14+$0x0], $0xffff;
	v58 =	vsub.f32 v52, v24  }
0x71: {  	s28 =	simm.s32 @!p2 $0x80;
	s26 =	sadd.s32 @!p2 s26, s1;
	v56 =	vsub.f32 v30, v23;
	v61 =	vsub.f32 v54, v26  }
0x72: {  	s29 =	simm.s32 @!p2 $0x400;
	s24 =	sadd.s32 $0x1, s24;
	s26 =	sadd.s32 @!p2 $0x2000, s26;
	v0 =	vadd.f32 v10, v0;
	v11 =	vsub.f32 v53, v25;
	v10 =	vmul.f32 v58, v58  }
0x73: {  	[tilespmem:s25], [sflag:$0x2] =	stream.strided.gather @!p2 [hbm4b:s26+s28], $0x1000, s29, s28, $0x38;
	v7 =	vsub.f32 v7, v9;
	v60 =	vmul.f32 v56, v56;
	v12 =	vmul.f32 v61, v61;
	[tilespmem:$0x1E780] =	vst v63  }
0x74: {  	p2 =	sne.s32 s24, $0x4;
	v4 =	vadd.f32 v10, v4;
	v10 =	vmul.f32 v11, v11;
	v11 =	vsub.f32 v55, v27  }
.Ltmp1:
0x75: {  	v62 =	vsub.f32 v57, v28;
	v63 =	vsub.f32 v59, v51;
	v7 =	vmul.f32 v7, v7;
	(pc) =	sbr.rel @p2 .LBB2_3-.Ltmp1, $4  }
0x76: {  	v8 =	vadd.f32 v60, v8;
	v5 =	vadd.f32 v12, v5;
	v9 =	vmul.f32 v11, v11  }
0x77: {  	v6 =	vadd.f32 v10, v6;
	v10 =	vmul.f32 v62, v62;
	v11 =	vmul.f32 v63, v63  }
0x78: {  	v0 =	vadd.f32 v7, v0;
	v3 =	vadd.f32 v9, v3  }
0x79: {  	s23 =	sadd.s32 $0x1000, s23;
	p1 =	por !p1, !p1;
	v2 =	vadd.f32 v10, v2;
	v1 =	vadd.f32 v11, v1  }
.Ltmp2:
0x7a: {  	(pc) =	sbr.rel @p0 .LBB2_2-.Ltmp2, $2  }
0x7b: {  	_ =	sdelay $0x2  }
0x7c: {  	s22 =	simm.s32 $0x20;
	p1 =	por $0x0, $0x0;
	p2 =	por $0x1, $0x1  }
0x7d: {  	v4 =	vadd.f32 v6, v4;
	v3 =	vadd.f32 v3, v5  }
0x7e: {  	v1 =	vadd.f32 v1, v2;
	v0 =	vadd.f32 v8, v0;
	_ =	sdelay $0x1  }
0x7f: {  	v63 =	vadd.f32 v3, v4;
	v0 =	vadd.f32 v0, v1;
	_ =	sdelay $0x1  }
0x80: {  	s21 =	sadd.s32 $0x1, s21;
	v0 =	vadd.f32 v0, v63  }
0x81: {  	p0 =	sne.s32 s21, s11  }
.Ltmp3:
0x82: {  	[tilespmem:$0x1E700] =	vst v0;
	(pc) =	sbr.rel @p0 .LBB2_1-.Ltmp3, $4  }
0x83: {  	[hbm4b:s10+s6] =	stream.linear.scatter [tilespmem:s20], [sflag:$0x3], $0x10, $0x38;
	[tilespmem:$0x1E780] =	vst v63  }
0x84: {  	_ =	swait.ge [sflag:s15], $0x10  }
0x85: {  	[sflag:s15] =	ssyncset.done $0x0  }
0x86: {  	[sflag:s15] =	ssyncadd.s32 $0xFFFFFFF0  }
0x87: {  	_ =	sfence.sel $0x180000  }
0x88: {  	[bflag:$0x0] =	sbarrier.arrive $0xFFFF  }
0x89: {  	p0 =	sne.s32 s0, $0x0;
	_ =	strace $0x90000047  }
0x8a: {  	s0 =	sadd.s32 @!p0 $0x100000, s3;
	[bflag:$0x2] =	sbarrier.arrive $0xFFFF  }
0x8b: {  	[sflag:s0] =	ssyncadd.tile.s32 @!p0 $0x1;
	_ =	shalt  }
.Lfunc_end2:
_tile_overlayer_lowered:
.L_overlay_start_2:
0x8c: {  	(tag) =	ssettag $0x2  }
0x8d: {  	s0 =	rddreg [dreg:$0x0];
	s2 =	stileid.u32  }
0x8e: {  	s1 =	rddreg [dreg:$0x1];
	p0 =	sne.s32 s2, $0x0  }
0x8f: {  	s3 =	rddreg [dreg:$0x2];
	[bflag:$0x3] =	sbarrier.arrive $0xFFFF;
	s2 =	simm.s32 @!p0 $0x1C03  }
0x90: {  	[timem:s3], [sflag:s2] =	dma.local @!p0 [hbm:s0], s1  }
0x91: {  	s0 =	simm.s32 @!p0 $0x3  }
0x92: {  	_ =	swait.ge @!p0 [sflag:s0], s1  }
0x93: {  	s1 =	ssub.s32 @!p0 $0x0, s1;
	[sflag:s0] =	ssyncset.done @!p0 $0x0  }
0x94: {  	[sflag:s0] =	ssyncadd.s32 @!p0 s1  }
0x95: {  	[bflag:$0x3] =	sbarrier.arrive $0xFFFF  }
0x96: {  	_ =	shalt  }

</sc_bundles>
